<compile_context>
chip_gen: v7x
topology: tpu7x:2x2x1
jax: 0.10.2.dev20260603
libtpu: 0.0.44.dev20260713+nightly
codegen_flags: <defaults>
</compile_context>

<pallas_src>
import functools

import jax
import jax.numpy as jnp
from jax import lax
from jax.experimental import pallas as pl
from jax.experimental.pallas import tpu as pltpu
from jax.experimental.pallas import tpu_sc as plsc

B = 4
T = 2048
D = 64
N = B * T
NC = 2
NS = 16
NW = NC * NS
PER_W = N // NW
LANES = 16
CPW = PER_W // LANES
UTOK = 64
NU = PER_W // UTOK
VPR = D // LANES

VOCAB = 1_000_000


def _emb_body(idx_hbm, par_hbm, table_hbm, pos_hbm, out_hbm,
              idx_v, row_v, parf_v, gath_v, pos_v, blk_v,
              sem0, sem1, psem):
    wid = lax.axis_index("s") * NC + lax.axis_index("c")
    base = wid * PER_W
    tbase = lax.rem(base, T)

    pltpu.sync_copy(idx_hbm.at[wid], idx_v)
    pltpu.sync_copy(par_hbm.at[wid], parf_v)

    pos_cp = pltpu.async_copy(pos_hbm.at[pl.ds(tbase, PER_W)], pos_v, psem)

    def build(c, carry):
        sl = pl.ds(c * LANES, LANES)
        row_v[0, sl] = idx_v[0, sl] >> 1
        return carry

    lax.fori_loop(0, CPW, build, 0)

    sems = (sem0, sem1)
    cps = {}

    def fire(u, slot):
        cps[u] = pltpu.async_copy(
            table_hbm.at[row_v.at[0, pl.ds(u * UTOK, UTOK)]],
            blk_v.at[slot],
            sems[slot],
        )

    fire(0, 0)
    fire(1, 1)
    pos_cp.wait()

    for u in range(2):
        slot = u & 1
        cps[u].wait()
        continue

        def select(j, carry):
            jj = u * UTOK + j
            parf = parf_v[jj, pl.ds(0, LANES)]
            for c in range(VPR):
                csl = pl.ds(c * LANES, LANES)
                lo = blk_v[slot, j, csl]
                hi = blk_v[slot, j, pl.ds(D + c * LANES, LANES)]
                gath_v[jj, csl] = lo + (hi - lo) * parf + pos_v[jj, csl]
            return carry

        lax.fori_loop(0, UTOK, select, 0)
        if u + 2 < NU:
            fire(u + 2, slot)

    pltpu.sync_copy(gath_v, out_hbm.at[pl.ds(base, PER_W), :])


@functools.cache
def _emb_kernel():
    mesh = plsc.VectorSubcoreMesh(core_axis_name="c", subcore_axis_name="s", num_cores=1)
    return pl.kernel(
        _emb_body,
        mesh=mesh,
        out_type=jax.ShapeDtypeStruct((N, D), jnp.float32),
        scratch_types=[
            pltpu.VMEM((1, PER_W), jnp.int32),
            pltpu.VMEM((1, PER_W), jnp.int32),
            pltpu.VMEM((PER_W, LANES), jnp.float32),
            pltpu.VMEM((PER_W, D), jnp.float32),
            pltpu.VMEM((PER_W, D), jnp.float32),
            pltpu.VMEM((2, UTOK, 2 * D), jnp.float32),
            pltpu.SemaphoreType.DMA,
            pltpu.SemaphoreType.DMA,
            pltpu.SemaphoreType.DMA,
        ],
    )


def kernel(x, embedding_table, pos_table):
    xi = x.astype(jnp.int32)
    idx = xi.reshape(NW, 1, PER_W)
    par = jnp.broadcast_to(
        (xi & 1).astype(jnp.float32).reshape(NW, PER_W, 1), (NW, PER_W, LANES)
    )
    pairs = embedding_table.reshape(VOCAB // 2, 2 * D)
    out = _emb_kernel()(idx, par, pairs, pos_table)
    return out.reshape(B, T, D)

# --- scband reference (transcript-rebuilt; emitter-appended) ---
"""Pipeline reference for scband-embedding-66520453480689 (READ-ONLY COPY).

The authoritative reference and input builder live on the scoring server;
editing this copy changes nothing except your own understanding.
"""

import jax, jax.numpy as jnp
import numpy as np

VOCAB = 1000000
D = 64
B = 4
T = 2048

def setup_inputs(seed: int = 0) -> dict:
    key = jax.random.key(seed)
    k1, k2, k3 = jax.random.split(key, 3)
    x = jax.random.randint(k1, (B, T), 0, VOCAB)
    embedding_table = jax.random.normal(k2, (VOCAB, D), dtype=jnp.float32) * 0.02
    pos_table = jax.random.normal(k3, (T, D), dtype=jnp.float32) * 0.02
    return {"x": x, "embedding_table": embedding_table, "pos_table": pos_table}

def reference(x, embedding_table, pos_table):
    # Faithful single-device (tp=1) translation of Embedding.__call__ with out=False:
    # token embedding lookup + positional embedding add. The tp all_to_all/all_gather
    # collectives are identity for a single shard, and the RMSNorm result in the
    # params-mutable branch is discarded (does not affect the returned value).
    T_len = x.shape[-1]
    emb = jnp.take(embedding_table, x, axis=0)          # [B, T, D] gather
    pos = jnp.take(pos_table, jnp.arange(T_len), axis=0)  # [T, D]
    out = emb + pos
    return out

if __name__ == "__main__":
    import jax
    _d = setup_inputs()
    print(jax.jit(kernel)(*tuple(_d.values())))

</pallas_src>

<mosaic_0001>
#map = affine_map<(d0, d1) -> (0, 0, 0)>
#map1 = affine_map<(d0, d1) -> (0, 0)>
module attributes {stable_mosaic.version = 14 : i64} {
  func.func @_emb_body(%arg0: i32, %arg1: i32, %arg2: memref<32x1x256xi32, #tpu.memory_space<hbm>>, %arg3: memref<32x256x16xf32, #tpu.memory_space<hbm>>, %arg4: memref<500000x128xf32, #tpu.memory_space<hbm>>, %arg5: memref<2048x64xf32, #tpu.memory_space<hbm>>, %arg6: memref<8192x64xf32, #tpu.memory_space<hbm>>, %arg7: memref<1x256xi32, #tpu.memory_space<vmem>>, %arg8: memref<1x256xi32, #tpu.memory_space<vmem>>, %arg9: memref<256x16xf32, #tpu.memory_space<vmem>>, %arg10: memref<256x64xf32, #tpu.memory_space<vmem>>, %arg11: memref<256x64xf32, #tpu.memory_space<vmem>>, %arg12: memref<2x64x128xf32, #tpu.memory_space<vmem>>, %arg13: memref<!tpu.dma_semaphore, #tpu.memory_space<semaphore_mem>>, %arg14: memref<!tpu.dma_semaphore, #tpu.memory_space<semaphore_mem>>, %arg15: memref<!tpu.dma_semaphore, #tpu.memory_space<semaphore_mem>>) attributes {dimension_semantics = [#tpu.dimension_semantics<core_parallel>, #tpu.dimension_semantics<subcore_parallel>], iteration_bounds = array<i64: 1, 16>, scalar_prefetch = 0 : i64, scratch_operands = 9 : i64, tpu.core_type = #tpu.core_type<sc_vector_subcore>, window_params = [{transform_indices = #map}, {transform_indices = #map}, {transform_indices = #map1}, {transform_indices = #map1}, {transform_indices = #map1}]} {
    %mul3A = arith.constant 2 : i32
    %mul3A_0 = arith.muli %arg1, %mul3A : i32
    %add3A = arith.addi %mul3A_0, %arg0 : i32
    %mul3A_1 = arith.constant 256 : i32
    %mul3A_2 = arith.muli %add3A, %mul3A_1 : i32
    %rem3A = arith.constant 2048 : i32
    %rem3A_3 = arith.remsi %mul3A_2, %rem3A : i32
    "tpu.region"() ({
      %run_scoped3A = tpu.sem_alloc : memref<!tpu.dma_semaphore, #tpu.memory_space<semaphore_mem>>
      %dma_start3A_63 = arith.constant 0 : i32
      %dma_start3A_64 = arith.constant 0 : i32
      %dma_start3A_65 = tpu.memref_slice %arg2[%add3A, %dma_start3A_63, %dma_start3A_64] : memref<32x1x256xi32, #tpu.memory_space<hbm>> -> memref<1x1x256xi32, #tpu.memory_space<hbm>>
      %dma_start3A_66 = tpu.memref_squeeze %dma_start3A_65 : memref<1x1x256xi32, #tpu.memory_space<hbm>> -> memref<1x256xi32, #tpu.memory_space<hbm>>
      %dma_start3A_67 = arith.constant 0 : i32
      %dma_start3A_68 = arith.constant 0 : i32
      %dma_start3A_69 = tpu.memref_slice %arg2[%add3A, %dma_start3A_67, %dma_start3A_68] : memref<32x1x256xi32, #tpu.memory_space<hbm>> -> memref<1x1x256xi32, #tpu.memory_space<hbm>>
      %dma_start3A_70 = tpu.memref_squeeze %dma_start3A_69 : memref<1x1x256xi32, #tpu.memory_space<hbm>> -> memref<1x256xi32, #tpu.memory_space<hbm>>
      tpu.enqueue_dma source(%dma_start3A_70 : memref<1x256xi32, #tpu.memory_space<hbm>>) target(%arg7 : memref<1x256xi32, #tpu.memory_space<vmem>>) target_semaphore(%run_scoped3A : memref<!tpu.dma_semaphore, #tpu.memory_space<semaphore_mem>>)
      %dma_wait3A_71 = arith.constant 0 : i32
      %dma_wait3A_72 = arith.constant 0 : i32
      %dma_wait3A_73 = tpu.memref_slice %arg2[%add3A, %dma_wait3A_71, %dma_wait3A_72] : memref<32x1x256xi32, #tpu.memory_space<hbm>> -> memref<1x1x256xi32, #tpu.memory_space<hbm>>
      %dma_wait3A_74 = tpu.memref_squeeze %dma_wait3A_73 : memref<1x1x256xi32, #tpu.memory_space<hbm>> -> memref<1x256xi32, #tpu.memory_space<hbm>>
      %dma_wait3A_75 = arith.constant 0 : i32
      %dma_wait3A_76 = arith.constant 0 : i32
      %dma_wait3A_77 = tpu.memref_slice %arg2[%add3A, %dma_wait3A_75, %dma_wait3A_76] : memref<32x1x256xi32, #tpu.memory_space<hbm>> -> memref<1x1x256xi32, #tpu.memory_space<hbm>>
      %dma_wait3A_78 = tpu.memref_squeeze %dma_wait3A_77 : memref<1x1x256xi32, #tpu.memory_space<hbm>> -> memref<1x256xi32, #tpu.memory_space<hbm>>
      tpu.wait_dma2 semaphore(%run_scoped3A : memref<!tpu.dma_semaphore, #tpu.memory_space<semaphore_mem>>) src(%dma_wait3A_78 : memref<1x256xi32, #tpu.memory_space<hbm>>) dst(%arg7 : memref<1x256xi32, #tpu.memory_space<vmem>>)
      tpu.yield
    }) : () -> ()
    "tpu.region"() ({
      %run_scoped3A = tpu.sem_alloc : memref<!tpu.dma_semaphore, #tpu.memory_space<semaphore_mem>>
      %dma_start3A_63 = arith.constant 0 : i32
      %dma_start3A_64 = arith.constant 0 : i32
      %dma_start3A_65 = tpu.memref_slice %arg3[%add3A, %dma_start3A_63, %dma_start3A_64] : memref<32x256x16xf32, #tpu.memory_space<hbm>> -> memref<1x256x16xf32, #tpu.memory_space<hbm>>
      %dma_start3A_66 = tpu.memref_squeeze %dma_start3A_65 : memref<1x256x16xf32, #tpu.memory_space<hbm>> -> memref<256x16xf32, #tpu.memory_space<hbm>>
      %dma_start3A_67 = arith.constant 0 : i32
      %dma_start3A_68 = arith.constant 0 : i32
      %dma_start3A_69 = tpu.memref_slice %arg3[%add3A, %dma_start3A_67, %dma_start3A_68] : memref<32x256x16xf32, #tpu.memory_space<hbm>> -> memref<1x256x16xf32, #tpu.memory_space<hbm>>
      %dma_start3A_70 = tpu.memref_squeeze %dma_start3A_69 : memref<1x256x16xf32, #tpu.memory_space<hbm>> -> memref<256x16xf32, #tpu.memory_space<hbm>>
      tpu.enqueue_dma source(%dma_start3A_70 : memref<256x16xf32, #tpu.memory_space<hbm>>) target(%arg9 : memref<256x16xf32, #tpu.memory_space<vmem>>) target_semaphore(%run_scoped3A : memref<!tpu.dma_semaphore, #tpu.memory_space<semaphore_mem>>)
      %dma_wait3A_71 = arith.constant 0 : i32
      %dma_wait3A_72 = arith.constant 0 : i32
      %dma_wait3A_73 = tpu.memref_slice %arg3[%add3A, %dma_wait3A_71, %dma_wait3A_72] : memref<32x256x16xf32, #tpu.memory_space<hbm>> -> memref<1x256x16xf32, #tpu.memory_space<hbm>>
      %dma_wait3A_74 = tpu.memref_squeeze %dma_wait3A_73 : memref<1x256x16xf32, #tpu.memory_space<hbm>> -> memref<256x16xf32, #tpu.memory_space<hbm>>
      %dma_wait3A_75 = arith.constant 0 : i32
      %dma_wait3A_76 = arith.constant 0 : i32
      %dma_wait3A_77 = tpu.memref_slice %arg3[%add3A, %dma_wait3A_75, %dma_wait3A_76] : memref<32x256x16xf32, #tpu.memory_space<hbm>> -> memref<1x256x16xf32, #tpu.memory_space<hbm>>
      %dma_wait3A_78 = tpu.memref_squeeze %dma_wait3A_77 : memref<1x256x16xf32, #tpu.memory_space<hbm>> -> memref<256x16xf32, #tpu.memory_space<hbm>>
      tpu.wait_dma2 semaphore(%run_scoped3A : memref<!tpu.dma_semaphore, #tpu.memory_space<semaphore_mem>>) src(%dma_wait3A_78 : memref<256x16xf32, #tpu.memory_space<hbm>>) dst(%arg9 : memref<256x16xf32, #tpu.memory_space<vmem>>)
      tpu.yield
    }) : () -> ()
    %dma_start3A = arith.constant 0 : i32
    %dma_start3A_4 = tpu.memref_slice %arg5[%rem3A_3, %dma_start3A] : memref<2048x64xf32, #tpu.memory_space<hbm>> -> memref<256x64xf32, #tpu.memory_space<hbm>>
    %dma_start3A_5 = arith.constant 0 : i32
    %dma_start3A_6 = tpu.memref_slice %arg5[%rem3A_3, %dma_start3A_5] : memref<2048x64xf32, #tpu.memory_space<hbm>> -> memref<256x64xf32, #tpu.memory_space<hbm>>
    tpu.enqueue_dma source(%dma_start3A_6 : memref<256x64xf32, #tpu.memory_space<hbm>>) target(%arg11 : memref<256x64xf32, #tpu.memory_space<vmem>>) target_semaphore(%arg15 : memref<!tpu.dma_semaphore, #tpu.memory_space<semaphore_mem>>)
    %scan3A = arith.constant 0 : i32
    %scan3A_7 = arith.constant 0 : i32
    %scan3A_8 = arith.constant 16 : i32
    %scan3A_9 = arith.addi %scan3A_7, %scan3A_8 : i32
    %scan3A_10 = arith.constant 1 : i32
    scf.for %scan3A_63 = %scan3A_7 to %scan3A_9 step %scan3A_10  : i32 {
      %mul3A_64 = arith.constant 16 : i32
      %mul3A_65 = arith.muli %scan3A_63, %mul3A_64 : i32
      %get3A = arith.constant 0 : i32
      %get3A_66 = arith.index_cast %get3A : i32 to index
      %get3A_67 = arith.index_cast %mul3A_65 : i32 to index
      %get3A_68 = tpu.vector_load %arg7[%get3A_66, %get3A_67] {strides = array<i32>} : memref<1x256xi32, #tpu.memory_space<vmem>>, vector<1x16xi32>,
      %get3A_69 = vector.shape_cast %get3A_68 : vector<1x16xi32> to vector<16xi32>
      %shift_right_arithmetic3A = arith.constant 1 : i32
      %shift_right_arithmetic3A_70 = vector.broadcast %shift_right_arithmetic3A : i32 to vector<16xi32>
      %shift_right_arithmetic3A_71 = arith.shrsi %get3A_69, %shift_right_arithmetic3A_70 : vector<16xi32>
      %swap3A = arith.constant 0 : i32
      %swap3A_72 = arith.index_cast %swap3A : i32 to index
      %swap3A_73 = arith.index_cast %mul3A_65 : i32 to index
      %swap3A_74 = tpu.vector_load %arg8[%swap3A_72, %swap3A_73] {strides = array<i32>} : memref<1x256xi32, #tpu.memory_space<vmem>>, vector<1x16xi32>,
      %swap3A_75 = vector.shape_cast %swap3A_74 : vector<1x16xi32> to vector<16xi32>
      %swap3A_76 = vector.shape_cast %shift_right_arithmetic3A_71 : vector<16xi32> to vector<1x16xi32>
      tpu.vector_store %arg8[%swap3A_72, %swap3A_73], %swap3A_76 {strides = array<i32>} : memref<1x256xi32, #tpu.memory_space<vmem>>, vector<1x16xi32>,
    }
    %scan3A_11 = arith.constant 16 : i32
    %dma_start3A_12 = arith.constant 0 : i32
    %dma_start3A_13 = arith.constant 0 : i32
    %dma_start3A_14 = arith.constant 0 : i32
    %dma_start3A_15 = arith.constant 0 : i32
    %dma_start3A_16 = tpu.memref_slice %arg12[%dma_start3A_13, %dma_start3A_14, %dma_start3A_15] : memref<2x64x128xf32, #tpu.memory_space<vmem>> -> memref<1x64x128xf32, #tpu.memory_space<vmem>>
    %dma_start3A_17 = tpu.memref_squeeze %dma_start3A_16 : memref<1x64x128xf32, #tpu.memory_space<vmem>> -> memref<64x128xf32, #tpu.memory_space<vmem>>
    %dma_start3A_18 = arith.constant 0 : i32
    %dma_start3A_19 = tpu.memref_slice %arg8[%dma_start3A_12, %dma_start3A_18] : memref<1x256xi32, #tpu.memory_space<vmem>> -> memref<1x64xi32, #tpu.memory_space<vmem>>
    %dma_start3A_20 = tpu.memref_squeeze %dma_start3A_19 : memref<1x64xi32, #tpu.memory_space<vmem>> -> memref<64xi32, #tpu.memory_space<vmem>>
    %dma_start3A_21 = arith.constant 0 : i32
    %dma_start3A_22 = arith.constant 0 : i32
    %dma_start3A_23 = tpu.memref_slice %arg4[%dma_start3A_21, %dma_start3A_22] : memref<500000x128xf32, #tpu.memory_space<hbm>> -> memref<500000x128xf32, #tpu.memory_space<hbm>>
    tpu.enqueue_indirect_dma source(%dma_start3A_23 : memref<500000x128xf32, #tpu.memory_space<hbm>>) target(%dma_start3A_17 : memref<64x128xf32, #tpu.memory_space<vmem>>) offsets(%dma_start3A_20 : memref<64xi32, #tpu.memory_space<vmem>>) semaphore(%arg13 : memref<!tpu.dma_semaphore, #tpu.memory_space<semaphore_mem>>)
    %dma_start3A_24 = arith.constant 0 : i32
    %dma_start3A_25 = arith.constant 1 : i32
    %dma_start3A_26 = arith.constant 0 : i32
    %dma_start3A_27 = arith.constant 0 : i32
    %dma_start3A_28 = tpu.memref_slice %arg12[%dma_start3A_25, %dma_start3A_26, %dma_start3A_27] : memref<2x64x128xf32, #tpu.memory_space<vmem>> -> memref<1x64x128xf32, #tpu.memory_space<vmem>>
    %dma_start3A_29 = tpu.memref_squeeze %dma_start3A_28 : memref<1x64x128xf32, #tpu.memory_space<vmem>> -> memref<64x128xf32, #tpu.memory_space<vmem>>
    %dma_start3A_30 = arith.constant 64 : i32
    %dma_start3A_31 = tpu.memref_slice %arg8[%dma_start3A_24, %dma_start3A_30] : memref<1x256xi32, #tpu.memory_space<vmem>> -> memref<1x64xi32, #tpu.memory_space<vmem>>
    %dma_start3A_32 = tpu.memref_squeeze %dma_start3A_31 : memref<1x64xi32, #tpu.memory_space<vmem>> -> memref<64xi32, #tpu.memory_space<vmem>>
    %dma_start3A_33 = arith.constant 0 : i32
    %dma_start3A_34 = arith.constant 0 : i32
    %dma_start3A_35 = tpu.memref_slice %arg4[%dma_start3A_33, %dma_start3A_34] : memref<500000x128xf32, #tpu.memory_space<hbm>> -> memref<500000x128xf32, #tpu.memory_space<hbm>>
    tpu.enqueue_indirect_dma source(%dma_start3A_35 : memref<500000x128xf32, #tpu.memory_space<hbm>>) target(%dma_start3A_29 : memref<64x128xf32, #tpu.memory_space<vmem>>) offsets(%dma_start3A_32 : memref<64xi32, #tpu.memory_space<vmem>>) semaphore(%arg14 : memref<!tpu.dma_semaphore, #tpu.memory_space<semaphore_mem>>)
    %dma_wait3A = arith.constant 0 : i32
    %dma_wait3A_36 = tpu.memref_slice %arg5[%rem3A_3, %dma_wait3A] : memref<2048x64xf32, #tpu.memory_space<hbm>> -> memref<256x64xf32, #tpu.memory_space<hbm>>
    %dma_wait3A_37 = arith.constant 0 : i32
    %dma_wait3A_38 = tpu.memref_slice %arg5[%rem3A_3, %dma_wait3A_37] : memref<2048x64xf32, #tpu.memory_space<hbm>> -> memref<256x64xf32, #tpu.memory_space<hbm>>
    tpu.wait_dma2 semaphore(%arg15 : memref<!tpu.dma_semaphore, #tpu.memory_space<semaphore_mem>>) src(%dma_wait3A_38 : memref<256x64xf32, #tpu.memory_space<hbm>>) dst(%arg11 : memref<256x64xf32, #tpu.memory_space<vmem>>)
    %dma_wait3A_39 = arith.constant 0 : i32
    %dma_wait3A_40 = arith.constant 0 : i32
    %dma_wait3A_41 = arith.constant 0 : i32
    %dma_wait3A_42 = arith.constant 0 : i32
    %dma_wait3A_43 = tpu.memref_slice %arg12[%dma_wait3A_40, %dma_wait3A_41, %dma_wait3A_42] : memref<2x64x128xf32, #tpu.memory_space<vmem>> -> memref<1x64x128xf32, #tpu.memory_space<vmem>>
    %dma_wait3A_44 = tpu.memref_squeeze %dma_wait3A_43 : memref<1x64x128xf32, #tpu.memory_space<vmem>> -> memref<64x128xf32, #tpu.memory_space<vmem>>
    %dma_wait3A_45 = arith.constant 0 : i32
    %dma_wait3A_46 = tpu.memref_slice %arg8[%dma_wait3A_39, %dma_wait3A_45] : memref<1x256xi32, #tpu.memory_space<vmem>> -> memref<1x64xi32, #tpu.memory_space<vmem>>
    %dma_wait3A_47 = tpu.memref_squeeze %dma_wait3A_46 : memref<1x64xi32, #tpu.memory_space<vmem>> -> memref<64xi32, #tpu.memory_space<vmem>>
    %dma_wait3A_48 = arith.constant 0 : i32
    %dma_wait3A_49 = arith.constant 0 : i32
    %dma_wait3A_50 = tpu.memref_slice %arg4[%dma_wait3A_48, %dma_wait3A_49] : memref<500000x128xf32, #tpu.memory_space<hbm>> -> memref<500000x128xf32, #tpu.memory_space<hbm>>
    tpu.wait_indirect_dma semaphore(%arg13 : memref<!tpu.dma_semaphore, #tpu.memory_space<semaphore_mem>>) src(%dma_wait3A_50 : memref<500000x128xf32, #tpu.memory_space<hbm>>) dst(%dma_wait3A_44 : memref<64x128xf32, #tpu.memory_space<vmem>>)
    %dma_wait3A_51 = arith.constant 0 : i32
    %dma_wait3A_52 = arith.constant 1 : i32
    %dma_wait3A_53 = arith.constant 0 : i32
    %dma_wait3A_54 = arith.constant 0 : i32
    %dma_wait3A_55 = tpu.memref_slice %arg12[%dma_wait3A_52, %dma_wait3A_53, %dma_wait3A_54] : memref<2x64x128xf32, #tpu.memory_space<vmem>> -> memref<1x64x128xf32, #tpu.memory_space<vmem>>
    %dma_wait3A_56 = tpu.memref_squeeze %dma_wait3A_55 : memref<1x64x128xf32, #tpu.memory_space<vmem>> -> memref<64x128xf32, #tpu.memory_space<vmem>>
    %dma_wait3A_57 = arith.constant 64 : i32
    %dma_wait3A_58 = tpu.memref_slice %arg8[%dma_wait3A_51, %dma_wait3A_57] : memref<1x256xi32, #tpu.memory_space<vmem>> -> memref<1x64xi32, #tpu.memory_space<vmem>>
    %dma_wait3A_59 = tpu.memref_squeeze %dma_wait3A_58 : memref<1x64xi32, #tpu.memory_space<vmem>> -> memref<64xi32, #tpu.memory_space<vmem>>
    %dma_wait3A_60 = arith.constant 0 : i32
    %dma_wait3A_61 = arith.constant 0 : i32
    %dma_wait3A_62 = tpu.memref_slice %arg4[%dma_wait3A_60, %dma_wait3A_61] : memref<500000x128xf32, #tpu.memory_space<hbm>> -> memref<500000x128xf32, #tpu.memory_space<hbm>>
    tpu.wait_indirect_dma semaphore(%arg14 : memref<!tpu.dma_semaphore, #tpu.memory_space<semaphore_mem>>) src(%dma_wait3A_62 : memref<500000x128xf32, #tpu.memory_space<hbm>>) dst(%dma_wait3A_56 : memref<64x128xf32, #tpu.memory_space<vmem>>)
    "tpu.region"() ({
      %run_scoped3A = tpu.sem_alloc : memref<!tpu.dma_semaphore, #tpu.memory_space<semaphore_mem>>
      %dma_start3A_63 = arith.constant 0 : i32
      %dma_start3A_64 = tpu.memref_slice %arg6[%mul3A_2, %dma_start3A_63] : memref<8192x64xf32, #tpu.memory_space<hbm>> -> memref<256x64xf32, #tpu.memory_space<hbm>>
      %dma_start3A_65 = arith.constant 0 : i32
      %dma_start3A_66 = tpu.memref_slice %arg6[%mul3A_2, %dma_start3A_65] : memref<8192x64xf32, #tpu.memory_space<hbm>> -> memref<256x64xf32, #tpu.memory_space<hbm>>
      tpu.enqueue_dma source(%arg10 : memref<256x64xf32, #tpu.memory_space<vmem>>) target(%dma_start3A_66 : memref<256x64xf32, #tpu.memory_space<hbm>>) target_semaphore(%run_scoped3A : memref<!tpu.dma_semaphore, #tpu.memory_space<semaphore_mem>>)
      %dma_wait3A_67 = arith.constant 0 : i32
      %dma_wait3A_68 = tpu.memref_slice %arg6[%mul3A_2, %dma_wait3A_67] : memref<8192x64xf32, #tpu.memory_space<hbm>> -> memref<256x64xf32, #tpu.memory_space<hbm>>
      %dma_wait3A_69 = arith.constant 0 : i32
      %dma_wait3A_70 = tpu.memref_slice %arg6[%mul3A_2, %dma_wait3A_69] : memref<8192x64xf32, #tpu.memory_space<hbm>> -> memref<256x64xf32, #tpu.memory_space<hbm>>
      tpu.wait_dma2 semaphore(%run_scoped3A : memref<!tpu.dma_semaphore, #tpu.memory_space<semaphore_mem>>) src(%arg10 : memref<256x64xf32, #tpu.memory_space<vmem>>) dst(%dma_wait3A_70 : memref<256x64xf32, #tpu.memory_space<hbm>>)
      tpu.yield
    }) : () -> ()
    return
  }
}

</mosaic_0001>

<sc_bundles>
// kernel: kernel.3.cloned.1.call-start
scs
__scs_entry_jumppad:
0x0: {  	(pc) =	sbr.rel $0x88, $3  }
0x1: {  	(tag) =	ssettag $0x0;
	lr =	simm.s32 $0x1  }
0x2: {  	[smem:$0x3F9E] =	sst lr;
	_ =	strace $0xD0000000  }
0x3: {  	_ = 	snop  }
0x4: {  	_ = 	snop  }
0x5: {  	_ = 	snop  }
0x6: {  	_ = 	snop  }
0x7: {  	_ = 	snop  }
__scs_overlays_trampoline_lowered:
0x8: {  	[smem:$0x3FAD] =	sst s0  }
0x9: {  	[smem:$0x3FAE] =	sst s1  }
0xa: {  	[smem:$0x3FAF] =	sst s2  }
0xb: {  	[smem:$0x3FB0] =	sst s3  }
0xc: {  	[smem:$0x3FB1] =	sst s4  }
0xd: {  	[smem:$0x3FB2] =	sst s5  }
0xe: {  	[smem:$0x3FB3] =	sst s6  }
0xf: {  	[smem:$0x3FB4] =	sst s7  }
0x10: {  	[smem:$0x3FB5] =	sst s8  }
0x11: {  	[smem:$0x3FB6] =	sst s9;
	s0 =	simm.s32 @!p0 $0x0  }
0x12: {  	s1 =	sld [smem:$0x3F9C];
	s0 =	simm.s32 @p0 $0x1  }
0x13: {  	[smem:$0x3FB7] =	sst s0;
	s0 =	simm.s32 @!p1 $0x0  }
0x14: {  	s2 =	sld [smem:$0x3F9B];
	s0 =	simm.s32 @p1 $0x1  }
0x15: {  	[smem:$0x3FB8] =	sst s0;
	s0 =	simm.s32 @!p2 $0x0  }
0x16: {  	s3 =	sld [smem:$0x3FDB];
	s0 =	simm.s32 @p2 $0x1  }
0x17: {  	s4 =	simm.s32 $0x1BF5;
	[smem:$0x3FBA] =	sst s0  }
0x18: {  	s0 =	sld [smem:$0x3F9D];
	_ =	swait.ge [sflag:s4], $0x0  }
0x19: {  	s7 =	sld [smem:$0x3F9E]  }
0x1a: {  	s8 =	sadd.s32 $0xFFFFE003, lr  }
0x1b: {  	s9 =	sadd.s32 $0xFFFFFEF7, lr;
	s5 =	simm.s32 $0xFFFFFFFF;
	p2 =	slt.u32 s8, $0xFFFFF086  }
0x1c: {  	p1 =	slt.u32 s9, $0xF7A;
	s5 =	simm.s32 @!p2 $0x0  }
0x1d: {  	s5 =	simm.s32 @p1 $0x1;
	p0 =	seq.s32 s7, s2  }
0x1e: {  	s7 =	smul.u32 @!p0 $0xF7A, s2;
	p2 =	seq.s32 @!p0 s5, $0x0  }
0x1f: {  	s9 =	smul.u32 $0xF7A, s1;
	s8 =	simm.s32 @!p0 $0x1BF5;
	p2 =	por !p2, p0  }
0x20: {  	[sflag:s8] =	ssyncset.s32 @!p0 $0xFFFFF086;
	s6 =	sadd.s32 @!p0 s3, s7;
	s7 =	simm.s32 @!p0 $0x108  }
0x21: {  	s3 =	sadd.s32 s3, s9;
	s6 =	sadd.s32 @!p0 $0x88, s6;
	s7 =	simm.s32 @p2 $0x1082  }
0x22: {  	[simem:s7], [sflag:s8] =	dma.local @!p0 [hbm:s6], $0xF7A  }
0x23: {  	s9 =	sor.u32 $0xD0000000, s2;
	s6 =	simm.s32 $0x108;
	_ =	swait.ge @!p0 [sflag:s8], $0x0  }
0x24: {  	s3 =	sadd.s32 $0x88, s3;
	s6 =	simm.s32 @!p1 $0x1082;
	[sflag:s4] =	ssyncset.s32 $0xFFFFF086  }
0x25: {  	[simem:s6], [sflag:s4] =	dma.local [hbm:s3], $0xF7A  }
0x26: {  	[smem:$0x3F9E] =	sst s1;
	(tag) =	ssettag s2;
	_ =	strace s9  }
0x27: {  	s1 =	sld [smem:$0x3FAE]  }
0x28: {  	s2 =	sld [smem:$0x3FAF]  }
0x29: {  	s4 =	sld [smem:$0x3FB1]  }
0x2a: {  	p0 =	seq.s32 s5, $0x0;
	s5 =	sld [smem:$0x3FB2]  }
0x2b: {  	s6 =	sld [smem:$0x3FB3]  }
0x2c: {  	s7 =	sld [smem:$0x3FB4]  }
0x2d: {  	s3 =	simm.s32 $0x108;
	s8 =	sld [smem:$0x3FB5]  }
0x2e: {  	s3 =	simm.s32 @!p0 $0x1082;
	s9 =	sld [smem:$0x3FB6]  }
0x2f: {  	lr =	sadd.s32 s0, s3;
	s0 =	sld [smem:$0x3FAD]  }
0x30: {  	s3 =	sld [smem:$0x3FB0]  }
0x31: {  	[smem:$0x3FB9] =	sst s10  }
0x32: {  	s10 =	sld [smem:$0x3FB7];
	_ =	sdelay $0x3  }
0x33: {  	p0 =	seq.s32 s10, $0x1;
	s10 =	sld [smem:$0x3FB9];
	_ =	sdelay $0x3  }
0x34: {  	[smem:$0x3FB9] =	sst s10  }
0x35: {  	s10 =	sld [smem:$0x3FB8];
	_ =	sdelay $0x3  }
0x36: {  	p1 =	seq.s32 s10, $0x1;
	s10 =	sld [smem:$0x3FB9];
	_ =	sdelay $0x3  }
0x37: {  	[smem:$0x3FB9] =	sst s10  }
0x38: {  	s10 =	sld [smem:$0x3FBA]  }
0x39: {  	_ = 	snop;
	(pc) =	sbr.ind lr, $3  }
0x3a: {  	_ = 	snop  }
0x3b: {  	_ = 	snop  }
0x3c: {  	p2 =	seq.s32 s10, $0x1;
	s10 =	sld [smem:$0x3FB9]  }
0x3d: {  	_ =	shalt  }
0x3e: {  	_ =	shalt  }
0x3f: {  	_ =	shalt  }
0x40: {  	_ =	shalt  }
0x41: {  	_ =	shalt  }
0x42: {  	_ =	shalt  }
0x43: {  	_ =	shalt  }
0x44: {  	_ =	shalt  }
0x45: {  	_ =	shalt  }
0x46: {  	_ =	shalt  }
0x47: {  	_ =	shalt  }
0x48: {  	_ =	shalt  }
0x49: {  	_ =	shalt  }
0x4a: {  	_ =	shalt  }
0x4b: {  	_ =	shalt  }
0x4c: {  	_ =	shalt  }
0x4d: {  	_ =	shalt  }
0x4e: {  	_ =	shalt  }
0x4f: {  	_ =	shalt  }
0x50: {  	_ =	shalt  }
0x51: {  	_ =	shalt  }
0x52: {  	_ =	shalt  }
0x53: {  	_ =	shalt  }
0x54: {  	_ =	shalt  }
0x55: {  	_ =	shalt  }
0x56: {  	_ =	shalt  }
0x57: {  	_ =	shalt  }
0x58: {  	_ =	shalt  }
0x59: {  	_ =	shalt  }
0x5a: {  	_ =	shalt  }
0x5b: {  	_ =	shalt  }
0x5c: {  	_ =	shalt  }
0x5d: {  	_ =	shalt  }
0x5e: {  	_ =	shalt  }
0x5f: {  	_ =	shalt  }
0x60: {  	_ =	shalt  }
0x61: {  	_ =	shalt  }
0x62: {  	_ =	shalt  }
0x63: {  	_ =	shalt  }
0x64: {  	_ =	shalt  }
0x65: {  	_ =	shalt  }
0x66: {  	_ =	shalt  }
0x67: {  	_ =	shalt  }
0x68: {  	_ =	shalt  }
0x69: {  	_ =	shalt  }
0x6a: {  	_ =	shalt  }
0x6b: {  	_ =	shalt  }
0x6c: {  	_ =	shalt  }
0x6d: {  	_ =	shalt  }
0x6e: {  	_ =	shalt  }
0x6f: {  	_ =	shalt  }
0x70: {  	_ =	shalt  }
0x71: {  	_ =	shalt  }
0x72: {  	_ =	shalt  }
0x73: {  	_ =	shalt  }
0x74: {  	_ =	shalt  }
0x75: {  	_ =	shalt  }
0x76: {  	_ =	shalt  }
0x77: {  	_ =	shalt  }
0x78: {  	_ =	shalt  }
0x79: {  	_ =	shalt  }
0x7a: {  	_ =	shalt  }
0x7b: {  	_ =	shalt  }
0x7c: {  	_ =	shalt  }
0x7d: {  	_ =	shalt  }
0x7e: {  	_ =	shalt  }
0x7f: {  	_ =	shalt  }
0x80: {  	_ =	shalt  }
0x81: {  	_ =	shalt  }
0x82: {  	_ =	shalt  }
0x83: {  	_ =	shalt  }
0x84: {  	_ =	shalt  }
0x85: {  	_ =	shalt  }
0x86: {  	_ =	shalt  }
0x87: {  	_ =	shalt  }
.Lfunc_end0:
.L_simem_size_0:
called_computation_lowered:
.L_overlay_start_0:
0x88: {  	s0 =	sld [smem:$0x3FD9]  }
0x89: {  	s1 =	sld [smem:$0x3FFE];
	_ =	sdelay $0x3  }
0x8a: {  	s0 =	sadd.s32 s1, s0  }
0x8b: {  	[smem:$0x3FC5] =	sst s0  }
0x8c: {  	_ = 	snop  }
0x8d: {  	s0 =	sld [smem:$0x3FD0];
	(tm) =	ssettm $0x1  }
0x8e: {  	s16 =	sld [smem:$0x3FFB];
	_ =	sdelay $0x3  }
0x8f: {  	_ =	strace s16  }
0x90: {  	s1 =	sld [smem:$0x3FFC];
	_ =	sdelay $0x3  }
0x91: {  	_ =	strace s1  }
0x92: {  	s1 =	sld [smem:$0x3FFD];
	_ =	sdelay $0x3  }
0x93: {  	_ =	strace s1  }
0x94: {  	_ =	strace $0x8FFFFFFF  }
0x95: {  	s17 =	sld [smem:$0x3FDB];
	_ =	sdelay $0x1  }
0x96: {  	s2 =	simm.s32 $_scs_section_size  }
0x97: {  	s3 =	simm.s32 $_size__tile_overlayer_lowered;
	s4 =	simm.s32 $_tile_overlayer_lowered  }
0x98: {  	s20 =	simm.s32 $0x1BFF;
	s19 =	sshll.u32 s4, $0x1;
	s1 =	sadd.s32 s2, s17  }
0x99: {  	s5 =	simm.s32 $0x0;
	s18 =	sshll.u32 s3, $0x1;
	s3 =	sadd.s32 s19, s1  }
0x9a: {  	[timem:s5], [sflag:s20] =	dma.local [hbm:s3], s18  }
0x9b: {  	_ =	swait.ge [sflag:s20], s18  }
0x9c: {  	s2 =	ssub.s32 $0x0, s18;
	[sflag:s20] =	ssyncset.done $0x0  }
0x9d: {  	[sflag:s20] =	ssyncadd.s32 s2;
	_ =	sdelay $0x1  }
0x9e: {  	s21 =	simm.s32 $0x1B8B  }
0x9f: {  	_ =	swait.ge [sflag:s21], $0x1  }
0xa0: {  	[sflag:s21] =	ssyncset.done $0x0  }
0xa1: {  	s23 =	simm.s32 $0x1B8E;
	s22 =	sld [smem:$0x3FFE];
	[sflag:s21] =	ssyncadd.s32 $0xFFFFFFFF  }
0xa2: {  	s24 =	simm.s32 $execute0_lowered;
	[smem:$0x3FD2] =	sst s23  }
0xa3: {  	s3 =	sshll.u32 s24, $0x1;
	_ =	strace $0x80000046;
	[dreg:$0x1] =	wrdreg $0xFFFFFFFF  }
0xa4: {  	s25 =	simm.s32 $_size_execute0_lowered;
	s1 =	sadd.s32 s1, s3;
	[dreg:$0x0] =	wrdreg $0x0  }
0xa5: {  	s3 =	sshll.u32 s25, $0x1;
	[dreg:$0x2] =	wrdreg s1  }
0xa6: {  	[dreg:$0x3] =	wrdreg s3  }
0xa7: {  	[dreg:$0x4] =	wrdreg $0xC0  }
0xa8: {  	_ =	task [dreg:s5], $0x5FFFF  }
0xa9: {  	[dreg:$0x1] =	wrdreg $0xFFFFFFFF  }
0xaa: {  	[dreg:$0x0] =	wrdreg $0x60  }
0xab: {  	[dreg:$0x2] =	wrdreg s22  }
0xac: {  	[dreg:$0x3] =	wrdreg s0  }
0xad: {  	[dreg:$0x4] =	wrdreg $0x9  }
0xae: {  	_ =	task.clear_ibuf [dreg:s5], $0x5FFFF;
	_ =	strace $0x90000046  }
0xaf: {  	s26 =	simm.s32 $0x9;
	_ =	strace $0x80000048  }
0xb0: {  	_ =	swait.ge [sflag:s26], $0x1  }
0xb1: {  	[sflag:s26] =	ssyncadd.s32 $0xFFFFFFFF  }
0xb2: {  	_ =	strace $0x90000048  }
0xb3: {  	_ =	sfence  }
0xb4: {  	s28 =	sld [smem:$0x0];
	_ =	sdelay $0x1  }
0xb5: {  	s29 =	srdreg.scid  }
0xb6: {  	s30 =	sshll.u32 s29, $0xD;
	s31 =	sshrl.u32 s29, $0x2  }
0xb7: {  	s2 =	sand.u32 $0x4000, s30;
	s1 =	sand.u32 $0x1, s29;
	s0 =	sadd.s32 s31, s28  }
0xb8: {  	s1 =	sor.u32 s2, s1;
	s0 =	sshll.u32 s0, $0x11  }
0xb9: {  	s0 =	sor.u32 s0, s1  }
0xba: {  	s0 =	sadd.s32 $0x8F2B, s0  }
0xbb: {  	[sflag:s0] =	ssyncadd.remote.s32 $0x1  }
0xbc: {  	_ =	sfence.sel $0xFFFF  }
0xbd: {  	[dreg:$0x0] =	wrdreg $0xFFFFFFFF;
	(pc) =	sbr.abs _section_cstart, $3  }
0xbe: {  	[dreg:$0x1] =	wrdreg $0xFFFFFFFF  }
0xbf: {  	_ =	task.clear_ibuf [dreg:s5], $0x2FFFF;
	_ =	strace $0x9FFFFFFF  }
0xc0: {  	(tm) =	ssettm $0x7FFFFFFF  }
0xc1: {  	_ =	shalt  }
tec
execute0_lowered:
.L_overlay_start_1:
0x0: {  	(tag) =	ssettag $0x1  }
0x1: {  	s5 =	rddreg [dreg:$0x0]  }
0x2: {  	s6 =	rddreg [dreg:$0x1];
	s1 =	stileid.u32  }
0x3: {  	s0 =	rddreg [dreg:$0x2];
	s2 =	simm.s32 $0x0;
	s3 =	sshll.u32 s1, $0x6  }
0x4: {  	[smem:$0x7FF] =	sst s2;
	s3 =	sadd.s32 s3, s5  }
0x5: {  	s20 =	simm.s32 $0x4;
	_ =	strace $0x80000047;
	s3 =	sadd.s32 $0x800, s3  }
0x6: {  	[tilespmem:s2], [sflag:$0x4] =	stream.linear.gather [hbm4b:s3+s2], $0x100, $0x38;
	[tilespmem:$0x1C200] =	vst v63  }
0x7: {  	s7 =	sshll.u32 s1, $0xD;
	_ =	swait.ge [sflag:s20], $0x100  }
0x8: {  	s4 =	sadd.s32 s7, s5;
	[sflag:s20] =	ssyncset.done $0x0  }
0x9: {  	s9 =	simm.s32 $0x200;
	s8 =	sadd.s32 $0xC00, s4;
	[sflag:s20] =	ssyncadd.s32 $0xFFFFFF00  }
0xa: {  	[tilespmem:s9], [sflag:$0x4] =	stream.linear.gather [hbm4b:s8+s2], $0x8000, $0x38;
	[tilespmem:$0x1C200] =	vst v63  }
0xb: {  	_ =	swait.ge [sflag:s20], $0x8000  }
0xc: {  	s7 =	sand.u32 $0x6000, s7;
	[sflag:s20] =	ssyncset.done $0x0  }
0xd: {  	s21 =	simm.s32 $0x10200;
	s6 =	sadd.s32 s6, s7;
	[sflag:s20] =	ssyncadd.s32 $0xFFFF8000  }
0xe: {  	[tilespmem:s21], [sflag:$0x3] =	stream.linear.gather [hbm4b:s6+s2], $0x8000, $0x38;
	[tilespmem:$0x1C200] =	vst v63  }
0xf: {  	v0 =	vld [tilespmem:$0x0]  }
0x10: {  	v1 =	vld [tilespmem:$0x10]  }
0x11: {  	v2 =	vld [tilespmem:$0x20]  }
0x12: {  	v3 =	vld [tilespmem:$0x30]  }
0x13: {  	v4 =	vld [tilespmem:$0x40]  }
0x14: {  	v5 =	vld [tilespmem:$0x50];
	v0 =	vshra.s32 v0, $0x1  }
0x15: {  	v40 =	vld [tilespmem:$0x60];
	v39 =	vshra.s32 v1, $0x1;
	[tilespmem:$0x100] =	vst v0  }
0x16: {  	v42 =	vld [tilespmem:$0x70];
	v41 =	vshra.s32 v2, $0x1;
	[tilespmem:$0x110] =	vst v39  }
0x17: {  	v44 =	vld [tilespmem:$0x80];
	v43 =	vshra.s32 v3, $0x1;
	[tilespmem:$0x120] =	vst v41  }
0x18: {  	v46 =	vld [tilespmem:$0x90];
	v45 =	vshra.s32 v4, $0x1;
	[tilespmem:$0x130] =	vst v43  }
0x19: {  	v48 =	vld [tilespmem:$0xA0];
	v47 =	vshra.s32 v5, $0x1;
	[tilespmem:$0x140] =	vst v45  }
0x1a: {  	v50 =	vld [tilespmem:$0xB0];
	v49 =	vshra.s32 v40, $0x1;
	[tilespmem:$0x150] =	vst v47  }
0x1b: {  	v52 =	vld [tilespmem:$0xC0];
	v51 =	vshra.s32 v42, $0x1;
	[tilespmem:$0x160] =	vst v49  }
0x1c: {  	v54 =	vld [tilespmem:$0xD0];
	v53 =	vshra.s32 v44, $0x1;
	[tilespmem:$0x170] =	vst v51  }
0x1d: {  	v56 =	vld [tilespmem:$0xE0];
	v55 =	vshra.s32 v46, $0x1;
	[tilespmem:$0x180] =	vst v53  }
0x1e: {  	v58 =	vld [tilespmem:$0xF0];
	v57 =	vshra.s32 v48, $0x1;
	[tilespmem:$0x190] =	vst v55  }
0x1f: {  	v59 =	vshra.s32 v50, $0x1;
	[tilespmem:$0x1A0] =	vst v57  }
0x20: {  	v60 =	vshra.s32 v52, $0x1;
	[tilespmem:$0x1B0] =	vst v59  }
0x21: {  	v61 =	vshra.s32 v54, $0x1;
	[tilespmem:$0x1C0] =	vst v60  }
0x22: {  	v62 =	vshra.s32 v56, $0x1;
	[tilespmem:$0x1D0] =	vst v61  }
0x23: {  	s22 =	simm.s32 $0x40;
	v63 =	vshra.s32 v58, $0x1;
	[tilespmem:$0x1E0] =	vst v62  }
0x24: {  	s23 =	simm.s32 $0x100;
	s24 =	simm.s32 $0x18200;
	s5 =	sadd.s32 $0xF43000, s5;
	[tilespmem:$0x1F0] =	vst v63  }
0x25: {  	[tilespmem:s24], [sflag:$0x1] =	stream.indirect.gather [hbm4b:s5+s22], $0x80, s23, s22, $0xb8;
	[tilespmem:$0x1C200] =	vst v63  }
0x26: {  	s25 =	simm.s32 $0x140;
	s26 =	simm.s32 $0x1A200;
	s28 =	simm.s32 $0x3  }
0x27: {  	[tilespmem:s26], [sflag:$0x2] =	stream.indirect.gather [hbm4b:s5+s22], $0x80, s25, s22, $0xb8;
	[tilespmem:$0x1C200] =	vst v63  }
0x28: {  	_ =	swait.ge [sflag:s28], $0x8000  }
0x29: {  	[sflag:s28] =	ssyncset.done $0x0  }
0x2a: {  	s29 =	simm.s32 $0x1;
	[sflag:s28] =	ssyncadd.s32 $0xFFFF8000  }
0x2b: {  	_ =	swait.ge [sflag:s29], $0x2000  }
0x2c: {  	[sflag:s29] =	ssyncset.done $0x0  }
0x2d: {  	s30 =	simm.s32 $0x2;
	[sflag:s29] =	ssyncadd.s32 $0xFFFFE000  }
0x2e: {  	_ =	swait.ge [sflag:s30], $0x2000  }
0x2f: {  	[sflag:s30] =	ssyncset.done $0x0  }
0x30: {  	s31 =	simm.s32 $0x8200;
	s4 =	sadd.s32 $0x20C00, s4;
	[sflag:s30] =	ssyncadd.s32 $0xFFFFE000  }
0x31: {  	[hbm4b:s4+s2] =	stream.linear.scatter [tilespmem:s31], [sflag:$0x4], $0x8000, $0x38;
	[tilespmem:$0x1C200] =	vst v63  }
0x32: {  	_ =	swait.ge [sflag:s20], $0x8000  }
0x33: {  	[sflag:s20] =	ssyncset.done $0x0  }
0x34: {  	[sflag:s20] =	ssyncadd.s32 $0xFFFF8000  }
0x35: {  	_ =	sfence.sel $0x180000  }
0x36: {  	[bflag:$0x0] =	sbarrier.arrive $0xFFFF  }
0x37: {  	p0 =	sne.s32 s1, $0x0;
	_ =	strace $0x90000047  }
0x38: {  	s0 =	sadd.s32 @!p0 $0x100000, s0;
	[bflag:$0x2] =	sbarrier.arrive $0xFFFF  }
0x39: {  	[sflag:s0] =	ssyncadd.tile.s32 @!p0 $0x1;
	_ =	shalt  }
.Lfunc_end2:
_tile_overlayer_lowered:
.L_overlay_start_2:
0x3a: {  	(tag) =	ssettag $0x2  }
0x3b: {  	s0 =	rddreg [dreg:$0x0];
	s2 =	stileid.u32  }
0x3c: {  	s1 =	rddreg [dreg:$0x1];
	p0 =	sne.s32 s2, $0x0  }
0x3d: {  	s3 =	rddreg [dreg:$0x2];
	[bflag:$0x3] =	sbarrier.arrive $0xFFFF;
	s2 =	simm.s32 @!p0 $0x1C04  }
0x3e: {  	[timem:s3], [sflag:s2] =	dma.local @!p0 [hbm:s0], s1  }
0x3f: {  	s0 =	simm.s32 @!p0 $0x4  }
0x40: {  	_ =	swait.ge @!p0 [sflag:s0], s1  }
0x41: {  	s1 =	ssub.s32 @!p0 $0x0, s1;
	[sflag:s0] =	ssyncset.done @!p0 $0x0  }
0x42: {  	[sflag:s0] =	ssyncadd.s32 @!p0 s1  }
0x43: {  	[bflag:$0x3] =	sbarrier.arrive $0xFFFF  }
0x44: {  	_ =	shalt  }

</sc_bundles>
